<compile_context>
chip_gen: v7x
topology: tpu7x:2x2x1
jax: 0.10.2.dev20260603
libtpu: 0.0.44.dev20260713+nightly
codegen_flags: <defaults>
</compile_context>

<pallas_src>
import functools

import jax
import jax.numpy as jnp
from jax import lax
from jax.experimental import pallas as pl
from jax.experimental.pallas import tpu as pltpu
from jax.experimental.pallas import tpu_sc as plsc

_NUM_CORES = 2


def kernel(relative_position_bias_table, seq_len):
    table = relative_position_bias_table
    h = table.shape[1]
    n = (table.shape[0] + 1) // 2
    width = 2 * n
    r = jnp.flip(table, axis=0).T
    r = jnp.pad(r, ((0, 0), (0, 9)))
    rcop = jnp.stack([r[:, f:f + width] for f in reversed(range(8))], axis=1)
    rcop = rcop.reshape(h, 8 * width)

    rows_per_w = n // 2
    groups = rows_per_w // 8
    mesh = plsc.VectorSubcoreMesh(core_axis_name="c", subcore_axis_name="s")

    @functools.partial(
        pl.kernel, mesh=mesh,
        out_type=jax.ShapeDtypeStruct((h * n * n,), table.dtype),
        scratch_types=[pltpu.VMEM((8 * width,), jnp.float32),
                       pltpu.SemaphoreType.DMA],
    )
    def sck(rcop_hbm, out_hbm, rloc, sem):
        wid = lax.axis_index("s") * _NUM_CORES + lax.axis_index("c")
        hd = wid // 2
        i_base = (wid % 2) * rows_per_w
        pltpu.sync_copy(rcop_hbm.at[hd], rloc)

        def row_copy(g, k):
            i0 = i_base + 8 * g
            return pltpu.make_async_copy(
                rloc.at[pl.ds(k * width + n - 8 - i0, n)],
                out_hbm.at[pl.ds((hd * n + i0 + k) * n, n)],
                sem)

        @pl.loop(0, groups)
        def _fire(g):
            for k in range(8):
                row_copy(g, k).start()

        @pl.loop(0, groups)
        def _drain(g):
            for k in range(8):
                row_copy(g, k).wait()

    return sck(rcop).reshape(1, h, n, n)

# --- scband reference (transcript-rebuilt; emitter-appended) ---
"""Pipeline reference for scband-relative-position-bias-16269336117668 (READ-ONLY COPY).

The authoritative reference and input builder live on the scoring server;
editing this copy changes nothing except your own understanding.
"""

import jax, jax.numpy as jnp
import numpy as np

MAX_SEQ_LEN = 2048
NUM_HEADS = 16


def setup_inputs(seed: int = 0) -> dict:
    key = jax.random.key(seed)
    # learned parameter: relative_position_bias_table [2*max_seq_len-1, num_heads]
    # (torch init is zeros, but we use small randn so the gather is observable)
    table = jax.random.normal(key, (2 * MAX_SEQ_LEN - 1, NUM_HEADS), dtype=jnp.float32) * 0.02
    return {"relative_position_bias_table": table, "seq_len": 2048}


def reference(relative_position_bias_table, seq_len):
    max_seq_len = (relative_position_bias_table.shape[0] + 1) // 2
    static_seq_len = max_seq_len
    coords = jnp.arange(static_seq_len) + (seq_len - static_seq_len)
    relative_coords = coords[:, None] - coords[None, :]
    relative_coords = relative_coords + (max_seq_len - 1)
    if static_seq_len > max_seq_len:
        relative_coords = jnp.clip(relative_coords, 0, 2 * max_seq_len - 2)
    # gather: table[flat_idx] -> [S*S, H] -> [S, S, H]
    bias = jnp.take(relative_position_bias_table, relative_coords.reshape(-1), axis=0)
    bias = bias.reshape(static_seq_len, static_seq_len, -1)
    bias = jnp.transpose(bias, (2, 0, 1))
    return bias[None, :, :, :]

if __name__ == "__main__":
    import jax
    _d = setup_inputs()
    print(jax.jit(kernel)(*tuple(_d.values())))

</pallas_src>

<mosaic_0001>
#map = affine_map<(d0, d1) -> (0, 0)>
#map1 = affine_map<(d0, d1) -> (0)>
module attributes {stable_mosaic.version = 14 : i64} {
  func.func @sck(%arg0: i32, %arg1: i32, %arg2: memref<16x32768xf32, #tpu.memory_space<hbm>>, %arg3: memref<67108864xf32, #tpu.memory_space<hbm>>, %arg4: memref<32768xf32, #tpu.memory_space<vmem>>, %arg5: memref<!tpu.dma_semaphore, #tpu.memory_space<semaphore_mem>>) attributes {dimension_semantics = [#tpu.dimension_semantics<core_parallel>, #tpu.dimension_semantics<subcore_parallel>], iteration_bounds = array<i64: 2, 16>, scalar_prefetch = 0 : i64, scratch_operands = 2 : i64, tpu.core_type = #tpu.core_type<sc_vector_subcore>, window_params = [{transform_indices = #map}, {transform_indices = #map1}]} {
    %mul3A = arith.constant 2 : i32
    %mul3A_0 = arith.muli %arg1, %mul3A : i32
    %add3A = arith.addi %mul3A_0, %arg0 : i32
    %jit3A = arith.constant 2 : i32
    %div3A = arith.divsi %add3A, %jit3A : i32
    %sign3A = arith.constant 0 : i32
    %sign3A_1 = arith.cmpi sgt, %add3A, %sign3A : i32
    %sign3A_2 = arith.extui %sign3A_1 : i1 to i32
    %sign3A_3 = arith.constant 0 : i32
    %sign3A_4 = arith.cmpi slt, %add3A, %sign3A_3 : i32
    %sign3A_5 = arith.extui %sign3A_4 : i1 to i32
    %sign3A_6 = arith.subi %sign3A_2, %sign3A_5 : i32
    %sign3A_7 = arith.constant 0 : i32
    %sign3A_8 = arith.cmpi sgt, %jit3A, %sign3A_7 : i32
    %sign3A_9 = arith.extui %sign3A_8 : i1 to i32
    %sign3A_10 = arith.constant 0 : i32
    %sign3A_11 = arith.cmpi slt, %jit3A, %sign3A_10 : i32
    %sign3A_12 = arith.extui %sign3A_11 : i1 to i32
    %sign3A_13 = arith.subi %sign3A_9, %sign3A_12 : i32
    %ne3A = arith.cmpi ne, %sign3A_6, %sign3A_13 : i32
    %rem3A = arith.remsi %add3A, %jit3A : i32
    %ne3A_14 = arith.constant 0 : i32
    %ne3A_15 = arith.cmpi ne, %rem3A, %ne3A_14 : i32
    %and3A = arith.andi %ne3A, %ne3A_15 : i1
    %sub3A = arith.constant 1 : i32
    %sub3A_16 = arith.subi %div3A, %sub3A : i32
    %select_n3A = arith.select %and3A, %sub3A_16, %div3A : i32
    %jit3A_17 = arith.constant 2 : i32
    %eq3A = arith.constant 0 : i32
    %eq3A_18 = arith.cmpi eq, %jit3A_17, %eq3A : i32
    %jit3A_19 = arith.constant 1 : i32
    %select_n3A_20 = arith.select %eq3A_18, %jit3A_19, %jit3A_17 : i32
    %rem3A_21 = arith.remsi %add3A, %select_n3A_20 : i32
    %ne3A_22 = arith.constant 0 : i32
    %ne3A_23 = arith.cmpi ne, %rem3A_21, %ne3A_22 : i32
    %lt3A = arith.constant 0 : i32
    %lt3A_24 = arith.cmpi slt, %rem3A_21, %lt3A : i32
    %lt3A_25 = arith.constant 0 : i32
    %lt3A_26 = arith.cmpi slt, %select_n3A_20, %lt3A_25 : i32
    %ne3A_27 = arith.xori %lt3A_24, %lt3A_26 : i1
    %and3A_28 = arith.andi %ne3A_27, %ne3A_23 : i1
    %add3A_29 = arith.addi %rem3A_21, %select_n3A_20 : i32
    %select_n3A_30 = arith.select %and3A_28, %add3A_29, %rem3A_21 : i32
    %mul3A_31 = arith.constant 1024 : i32
    %mul3A_32 = arith.muli %select_n3A_30, %mul3A_31 : i32
    "tpu.region"() ({
      %run_scoped3A = tpu.sem_alloc : memref<!tpu.dma_semaphore, #tpu.memory_space<semaphore_mem>>
      %dma_start3A = arith.constant 0 : i32
      %dma_start3A_42 = tpu.memref_slice %arg2[%select_n3A, %dma_start3A] : memref<16x32768xf32, #tpu.memory_space<hbm>> -> memref<1x32768xf32, #tpu.memory_space<hbm>>
      %dma_start3A_43 = tpu.memref_squeeze %dma_start3A_42 : memref<1x32768xf32, #tpu.memory_space<hbm>> -> memref<32768xf32, #tpu.memory_space<hbm>>
      %dma_start3A_44 = arith.constant 0 : i32
      %dma_start3A_45 = tpu.memref_slice %arg2[%select_n3A, %dma_start3A_44] : memref<16x32768xf32, #tpu.memory_space<hbm>> -> memref<1x32768xf32, #tpu.memory_space<hbm>>
      %dma_start3A_46 = tpu.memref_squeeze %dma_start3A_45 : memref<1x32768xf32, #tpu.memory_space<hbm>> -> memref<32768xf32, #tpu.memory_space<hbm>>
      tpu.enqueue_dma source(%dma_start3A_46 : memref<32768xf32, #tpu.memory_space<hbm>>) target(%arg4 : memref<32768xf32, #tpu.memory_space<vmem>>) target_semaphore(%run_scoped3A : memref<!tpu.dma_semaphore, #tpu.memory_space<semaphore_mem>>)
      %dma_wait3A = arith.constant 0 : i32
      %dma_wait3A_47 = tpu.memref_slice %arg2[%select_n3A, %dma_wait3A] : memref<16x32768xf32, #tpu.memory_space<hbm>> -> memref<1x32768xf32, #tpu.memory_space<hbm>>
      %dma_wait3A_48 = tpu.memref_squeeze %dma_wait3A_47 : memref<1x32768xf32, #tpu.memory_space<hbm>> -> memref<32768xf32, #tpu.memory_space<hbm>>
      %dma_wait3A_49 = arith.constant 0 : i32
      %dma_wait3A_50 = tpu.memref_slice %arg2[%select_n3A, %dma_wait3A_49] : memref<16x32768xf32, #tpu.memory_space<hbm>> -> memref<1x32768xf32, #tpu.memory_space<hbm>>
      %dma_wait3A_51 = tpu.memref_squeeze %dma_wait3A_50 : memref<1x32768xf32, #tpu.memory_space<hbm>> -> memref<32768xf32, #tpu.memory_space<hbm>>
      tpu.wait_dma2 semaphore(%run_scoped3A : memref<!tpu.dma_semaphore, #tpu.memory_space<semaphore_mem>>) src(%dma_wait3A_51 : memref<32768xf32, #tpu.memory_space<hbm>>) dst(%arg4 : memref<32768xf32, #tpu.memory_space<vmem>>)
      tpu.yield
    }) : () -> ()
    %scan3A = arith.constant 0 : i32
    %scan3A_33 = arith.constant 128 : i32
    %scan3A_34 = arith.addi %scan3A, %scan3A_33 : i32
    %scan3A_35 = arith.constant 1 : i32
    scf.for %scan3A_42 = %scan3A to %scan3A_34 step %scan3A_35  : i32 {
      %mul3A_43 = arith.constant 1 : i32
      %mul3A_44 = arith.muli %scan3A_42, %mul3A_43 : i32
      %add3A_45 = arith.constant 0 : i32
      %add3A_46 = arith.addi %add3A_45, %mul3A_44 : i32
      %mul3A_47 = arith.constant 8 : i32
      %mul3A_48 = arith.muli %mul3A_47, %add3A_46 : i32
      %add3A_49 = arith.addi %mul3A_32, %mul3A_48 : i32
      %sub3A_50 = arith.constant 2040 : i32
      %sub3A_51 = arith.subi %sub3A_50, %add3A_49 : i32
      %mul3A_52 = arith.constant 2048 : i32
      %mul3A_53 = arith.muli %select_n3A, %mul3A_52 : i32
      %add3A_54 = arith.addi %mul3A_53, %add3A_49 : i32
      %add3A_55 = arith.constant 0 : i32
      %add3A_56 = arith.addi %add3A_54, %add3A_55 : i32
      %mul3A_57 = arith.constant 2048 : i32
      %mul3A_58 = arith.muli %add3A_56, %mul3A_57 : i32
      %dma_start3A = tpu.memref_slice %arg4[%sub3A_51] : memref<32768xf32, #tpu.memory_space<vmem>> -> memref<2048xf32, #tpu.memory_space<vmem>>
      %dma_start3A_59 = tpu.memref_slice %arg3[%mul3A_58] : memref<67108864xf32, #tpu.memory_space<hbm>> -> memref<2048xf32, #tpu.memory_space<hbm>>
      %dma_start3A_60 = tpu.memref_slice %arg3[%mul3A_58] : memref<67108864xf32, #tpu.memory_space<hbm>> -> memref<2048xf32, #tpu.memory_space<hbm>>
      %dma_start3A_61 = tpu.memref_slice %arg4[%sub3A_51] : memref<32768xf32, #tpu.memory_space<vmem>> -> memref<2048xf32, #tpu.memory_space<vmem>>
      tpu.enqueue_dma source(%dma_start3A_61 : memref<2048xf32, #tpu.memory_space<vmem>>) target(%dma_start3A_60 : memref<2048xf32, #tpu.memory_space<hbm>>) target_semaphore(%arg5 : memref<!tpu.dma_semaphore, #tpu.memory_space<semaphore_mem>>)
      %mul3A_62 = arith.constant 8 : i32
      %mul3A_63 = arith.muli %mul3A_62, %add3A_46 : i32
      %add3A_64 = arith.addi %mul3A_32, %mul3A_63 : i32
      %sub3A_65 = arith.constant 6136 : i32
      %sub3A_66 = arith.subi %sub3A_65, %add3A_64 : i32
      %mul3A_67 = arith.constant 2048 : i32
      %mul3A_68 = arith.muli %select_n3A, %mul3A_67 : i32
      %add3A_69 = arith.addi %mul3A_68, %add3A_64 : i32
      %add3A_70 = arith.constant 1 : i32
      %add3A_71 = arith.addi %add3A_69, %add3A_70 : i32
      %mul3A_72 = arith.constant 2048 : i32
      %mul3A_73 = arith.muli %add3A_71, %mul3A_72 : i32
      %dma_start3A_74 = tpu.memref_slice %arg4[%sub3A_66] : memref<32768xf32, #tpu.memory_space<vmem>> -> memref<2048xf32, #tpu.memory_space<vmem>>
      %dma_start3A_75 = tpu.memref_slice %arg3[%mul3A_73] : memref<67108864xf32, #tpu.memory_space<hbm>> -> memref<2048xf32, #tpu.memory_space<hbm>>
      %dma_start3A_76 = tpu.memref_slice %arg3[%mul3A_73] : memref<67108864xf32, #tpu.memory_space<hbm>> -> memref<2048xf32, #tpu.memory_space<hbm>>
      %dma_start3A_77 = tpu.memref_slice %arg4[%sub3A_66] : memref<32768xf32, #tpu.memory_space<vmem>> -> memref<2048xf32, #tpu.memory_space<vmem>>
      tpu.enqueue_dma source(%dma_start3A_77 : memref<2048xf32, #tpu.memory_space<vmem>>) target(%dma_start3A_76 : memref<2048xf32, #tpu.memory_space<hbm>>) target_semaphore(%arg5 : memref<!tpu.dma_semaphore, #tpu.memory_space<semaphore_mem>>)
      %mul3A_78 = arith.constant 8 : i32
      %mul3A_79 = arith.muli %mul3A_78, %add3A_46 : i32
      %add3A_80 = arith.addi %mul3A_32, %mul3A_79 : i32
      %sub3A_81 = arith.constant 10232 : i32
      %sub3A_82 = arith.subi %sub3A_81, %add3A_80 : i32
      %mul3A_83 = arith.constant 2048 : i32
      %mul3A_84 = arith.muli %select_n3A, %mul3A_83 : i32
      %add3A_85 = arith.addi %mul3A_84, %add3A_80 : i32
      %add3A_86 = arith.constant 2 : i32
      %add3A_87 = arith.addi %add3A_85, %add3A_86 : i32
      %mul3A_88 = arith.constant 2048 : i32
      %mul3A_89 = arith.muli %add3A_87, %mul3A_88 : i32
      %dma_start3A_90 = tpu.memref_slice %arg4[%sub3A_82] : memref<32768xf32, #tpu.memory_space<vmem>> -> memref<2048xf32, #tpu.memory_space<vmem>>
      %dma_start3A_91 = tpu.memref_slice %arg3[%mul3A_89] : memref<67108864xf32, #tpu.memory_space<hbm>> -> memref<2048xf32, #tpu.memory_space<hbm>>
      %dma_start3A_92 = tpu.memref_slice %arg3[%mul3A_89] : memref<67108864xf32, #tpu.memory_space<hbm>> -> memref<2048xf32, #tpu.memory_space<hbm>>
      %dma_start3A_93 = tpu.memref_slice %arg4[%sub3A_82] : memref<32768xf32, #tpu.memory_space<vmem>> -> memref<2048xf32, #tpu.memory_space<vmem>>
      tpu.enqueue_dma source(%dma_start3A_93 : memref<2048xf32, #tpu.memory_space<vmem>>) target(%dma_start3A_92 : memref<2048xf32, #tpu.memory_space<hbm>>) target_semaphore(%arg5 : memref<!tpu.dma_semaphore, #tpu.memory_space<semaphore_mem>>)
      %mul3A_94 = arith.constant 8 : i32
      %mul3A_95 = arith.muli %mul3A_94, %add3A_46 : i32
      %add3A_96 = arith.addi %mul3A_32, %mul3A_95 : i32
      %sub3A_97 = arith.constant 14328 : i32
      %sub3A_98 = arith.subi %sub3A_97, %add3A_96 : i32
      %mul3A_99 = arith.constant 2048 : i32
      %mul3A_100 = arith.muli %select_n3A, %mul3A_99 : i32
      %add3A_101 = arith.addi %mul3A_100, %add3A_96 : i32
      %add3A_102 = arith.constant 3 : i32
      %add3A_103 = arith.addi %add3A_101, %add3A_102 : i32
      %mul3A_104 = arith.constant 2048 : i32
      %mul3A_105 = arith.muli %add3A_103, %mul3A_104 : i32
      %dma_start3A_106 = tpu.memref_slice %arg4[%sub3A_98] : memref<32768xf32, #tpu.memory_space<vmem>> -> memref<2048xf32, #tpu.memory_space<vmem>>
      %dma_start3A_107 = tpu.memref_slice %arg3[%mul3A_105] : memref<67108864xf32, #tpu.memory_space<hbm>> -> memref<2048xf32, #tpu.memory_space<hbm>>
      %dma_start3A_108 = tpu.memref_slice %arg3[%mul3A_105] : memref<67108864xf32, #tpu.memory_space<hbm>> -> memref<2048xf32, #tpu.memory_space<hbm>>
      %dma_start3A_109 = tpu.memref_slice %arg4[%sub3A_98] : memref<32768xf32, #tpu.memory_space<vmem>> -> memref<2048xf32, #tpu.memory_space<vmem>>
      tpu.enqueue_dma source(%dma_start3A_109 : memref<2048xf32, #tpu.memory_space<vmem>>) target(%dma_start3A_108 : memref<2048xf32, #tpu.memory_space<hbm>>) target_semaphore(%arg5 : memref<!tpu.dma_semaphore, #tpu.memory_space<semaphore_mem>>)
      %mul3A_110 = arith.constant 8 : i32
      %mul3A_111 = arith.muli %mul3A_110, %add3A_46 : i32
      %add3A_112 = arith.addi %mul3A_32, %mul3A_111 : i32
      %sub3A_113 = arith.constant 18424 : i32
      %sub3A_114 = arith.subi %sub3A_113, %add3A_112 : i32
      %mul3A_115 = arith.constant 2048 : i32
      %mul3A_116 = arith.muli %select_n3A, %mul3A_115 : i32
      %add3A_117 = arith.addi %mul3A_116, %add3A_112 : i32
      %add3A_118 = arith.constant 4 : i32
      %add3A_119 = arith.addi %add3A_117, %add3A_118 : i32
      %mul3A_120 = arith.constant 2048 : i32
      %mul3A_121 = arith.muli %add3A_119, %mul3A_120 : i32
      %dma_start3A_122 = tpu.memref_slice %arg4[%sub3A_114] : memref<32768xf32, #tpu.memory_space<vmem>> -> memref<2048xf32, #tpu.memory_space<vmem>>
      %dma_start3A_123 = tpu.memref_slice %arg3[%mul3A_121] : memref<67108864xf32, #tpu.memory_space<hbm>> -> memref<2048xf32, #tpu.memory_space<hbm>>
      %dma_start3A_124 = tpu.memref_slice %arg3[%mul3A_121] : memref<67108864xf32, #tpu.memory_space<hbm>> -> memref<2048xf32, #tpu.memory_space<hbm>>
      %dma_start3A_125 = tpu.memref_slice %arg4[%sub3A_114] : memref<32768xf32, #tpu.memory_space<vmem>> -> memref<2048xf32, #tpu.memory_space<vmem>>
      tpu.enqueue_dma source(%dma_start3A_125 : memref<2048xf32, #tpu.memory_space<vmem>>) target(%dma_start3A_124 : memref<2048xf32, #tpu.memory_space<hbm>>) target_semaphore(%arg5 : memref<!tpu.dma_semaphore, #tpu.memory_space<semaphore_mem>>)
      %mul3A_126 = arith.constant 8 : i32
      %mul3A_127 = arith.muli %mul3A_126, %add3A_46 : i32
      %add3A_128 = arith.addi %mul3A_32, %mul3A_127 : i32
      %sub3A_129 = arith.constant 22520 : i32
      %sub3A_130 = arith.subi %sub3A_129, %add3A_128 : i32
      %mul3A_131 = arith.constant 2048 : i32
      %mul3A_132 = arith.muli %select_n3A, %mul3A_131 : i32
      %add3A_133 = arith.addi %mul3A_132, %add3A_128 : i32
      %add3A_134 = arith.constant 5 : i32
      %add3A_135 = arith.addi %add3A_133, %add3A_134 : i32
      %mul3A_136 = arith.constant 2048 : i32
      %mul3A_137 = arith.muli %add3A_135, %mul3A_136 : i32
      %dma_start3A_138 = tpu.memref_slice %arg4[%sub3A_130] : memref<32768xf32, #tpu.memory_space<vmem>> -> memref<2048xf32, #tpu.memory_space<vmem>>
      %dma_start3A_139 = tpu.memref_slice %arg3[%mul3A_137] : memref<67108864xf32, #tpu.memory_space<hbm>> -> memref<2048xf32, #tpu.memory_space<hbm>>
      %dma_start3A_140 = tpu.memref_slice %arg3[%mul3A_137] : memref<67108864xf32, #tpu.memory_space<hbm>> -> memref<2048xf32, #tpu.memory_space<hbm>>
      %dma_start3A_141 = tpu.memref_slice %arg4[%sub3A_130] : memref<32768xf32, #tpu.memory_space<vmem>> -> memref<2048xf32, #tpu.memory_space<vmem>>
      tpu.enqueue_dma source(%dma_start3A_141 : memref<2048xf32, #tpu.memory_space<vmem>>) target(%dma_start3A_140 : memref<2048xf32, #tpu.memory_space<hbm>>) target_semaphore(%arg5 : memref<!tpu.dma_semaphore, #tpu.memory_space<semaphore_mem>>)
      %mul3A_142 = arith.constant 8 : i32
      %mul3A_143 = arith.muli %mul3A_142, %add3A_46 : i32
      %add3A_144 = arith.addi %mul3A_32, %mul3A_143 : i32
      %sub3A_145 = arith.constant 26616 : i32
      %sub3A_146 = arith.subi %sub3A_145, %add3A_144 : i32
      %mul3A_147 = arith.constant 2048 : i32
      %mul3A_148 = arith.muli %select_n3A, %mul3A_147 : i32
      %add3A_149 = arith.addi %mul3A_148, %add3A_144 : i32
      %add3A_150 = arith.constant 6 : i32
      %add3A_151 = arith.addi %add3A_149, %add3A_150 : i32
      %mul3A_152 = arith.constant 2048 : i32
      %mul3A_153 = arith.muli %add3A_151, %mul3A_152 : i32
      %dma_start3A_154 = tpu.memref_slice %arg4[%sub3A_146] : memref<32768xf32, #tpu.memory_space<vmem>> -> memref<2048xf32, #tpu.memory_space<vmem>>
      %dma_start3A_155 = tpu.memref_slice %arg3[%mul3A_153] : memref<67108864xf32, #tpu.memory_space<hbm>> -> memref<2048xf32, #tpu.memory_space<hbm>>
      %dma_start3A_156 = tpu.memref_slice %arg3[%mul3A_153] : memref<67108864xf32, #tpu.memory_space<hbm>> -> memref<2048xf32, #tpu.memory_space<hbm>>
      %dma_start3A_157 = tpu.memref_slice %arg4[%sub3A_146] : memref<32768xf32, #tpu.memory_space<vmem>> -> memref<2048xf32, #tpu.memory_space<vmem>>
      tpu.enqueue_dma source(%dma_start3A_157 : memref<2048xf32, #tpu.memory_space<vmem>>) target(%dma_start3A_156 : memref<2048xf32, #tpu.memory_space<hbm>>) target_semaphore(%arg5 : memref<!tpu.dma_semaphore, #tpu.memory_space<semaphore_mem>>)
      %mul3A_158 = arith.constant 8 : i32
      %mul3A_159 = arith.muli %mul3A_158, %add3A_46 : i32
      %add3A_160 = arith.addi %mul3A_32, %mul3A_159 : i32
      %sub3A_161 = arith.constant 30712 : i32
      %sub3A_162 = arith.subi %sub3A_161, %add3A_160 : i32
      %mul3A_163 = arith.constant 2048 : i32
      %mul3A_164 = arith.muli %select_n3A, %mul3A_163 : i32
      %add3A_165 = arith.addi %mul3A_164, %add3A_160 : i32
      %add3A_166 = arith.constant 7 : i32
      %add3A_167 = arith.addi %add3A_165, %add3A_166 : i32
      %mul3A_168 = arith.constant 2048 : i32
      %mul3A_169 = arith.muli %add3A_167, %mul3A_168 : i32
      %dma_start3A_170 = tpu.memref_slice %arg4[%sub3A_162] : memref<32768xf32, #tpu.memory_space<vmem>> -> memref<2048xf32, #tpu.memory_space<vmem>>
      %dma_start3A_171 = tpu.memref_slice %arg3[%mul3A_169] : memref<67108864xf32, #tpu.memory_space<hbm>> -> memref<2048xf32, #tpu.memory_space<hbm>>
      %dma_start3A_172 = tpu.memref_slice %arg3[%mul3A_169] : memref<67108864xf32, #tpu.memory_space<hbm>> -> memref<2048xf32, #tpu.memory_space<hbm>>
      %dma_start3A_173 = tpu.memref_slice %arg4[%sub3A_162] : memref<32768xf32, #tpu.memory_space<vmem>> -> memref<2048xf32, #tpu.memory_space<vmem>>
      tpu.enqueue_dma source(%dma_start3A_173 : memref<2048xf32, #tpu.memory_space<vmem>>) target(%dma_start3A_172 : memref<2048xf32, #tpu.memory_space<hbm>>) target_semaphore(%arg5 : memref<!tpu.dma_semaphore, #tpu.memory_space<semaphore_mem>>)
    }
    %scan3A_36 = arith.constant 128 : i32
    %scan3A_37 = arith.constant 0 : i32
    %scan3A_38 = arith.constant 128 : i32
    %scan3A_39 = arith.addi %scan3A_37, %scan3A_38 : i32
    %scan3A_40 = arith.constant 1 : i32
    scf.for %scan3A_42 = %scan3A_37 to %scan3A_39 step %scan3A_40  : i32 {
      %mul3A_43 = arith.constant 1 : i32
      %mul3A_44 = arith.muli %scan3A_42, %mul3A_43 : i32
      %add3A_45 = arith.constant 0 : i32
      %add3A_46 = arith.addi %add3A_45, %mul3A_44 : i32
      %mul3A_47 = arith.constant 8 : i32
      %mul3A_48 = arith.muli %mul3A_47, %add3A_46 : i32
      %add3A_49 = arith.addi %mul3A_32, %mul3A_48 : i32
      %sub3A_50 = arith.constant 2040 : i32
      %sub3A_51 = arith.subi %sub3A_50, %add3A_49 : i32
      %mul3A_52 = arith.constant 2048 : i32
      %mul3A_53 = arith.muli %select_n3A, %mul3A_52 : i32
      %add3A_54 = arith.addi %mul3A_53, %add3A_49 : i32
      %add3A_55 = arith.constant 0 : i32
      %add3A_56 = arith.addi %add3A_54, %add3A_55 : i32
      %mul3A_57 = arith.constant 2048 : i32
      %mul3A_58 = arith.muli %add3A_56, %mul3A_57 : i32
      %dma_wait3A = tpu.memref_slice %arg4[%sub3A_51] : memref<32768xf32, #tpu.memory_space<vmem>> -> memref<2048xf32, #tpu.memory_space<vmem>>
      %dma_wait3A_59 = tpu.memref_slice %arg3[%mul3A_58] : memref<67108864xf32, #tpu.memory_space<hbm>> -> memref<2048xf32, #tpu.memory_space<hbm>>
      %dma_wait3A_60 = tpu.memref_slice %arg3[%mul3A_58] : memref<67108864xf32, #tpu.memory_space<hbm>> -> memref<2048xf32, #tpu.memory_space<hbm>>
      %dma_wait3A_61 = tpu.memref_slice %arg4[%sub3A_51] : memref<32768xf32, #tpu.memory_space<vmem>> -> memref<2048xf32, #tpu.memory_space<vmem>>
      tpu.wait_dma2 semaphore(%arg5 : memref<!tpu.dma_semaphore, #tpu.memory_space<semaphore_mem>>) src(%dma_wait3A_61 : memref<2048xf32, #tpu.memory_space<vmem>>) dst(%dma_wait3A_60 : memref<2048xf32, #tpu.memory_space<hbm>>)
      %mul3A_62 = arith.constant 8 : i32
      %mul3A_63 = arith.muli %mul3A_62, %add3A_46 : i32
      %add3A_64 = arith.addi %mul3A_32, %mul3A_63 : i32
      %sub3A_65 = arith.constant 6136 : i32
      %sub3A_66 = arith.subi %sub3A_65, %add3A_64 : i32
      %mul3A_67 = arith.constant 2048 : i32
      %mul3A_68 = arith.muli %select_n3A, %mul3A_67 : i32
      %add3A_69 = arith.addi %mul3A_68, %add3A_64 : i32
      %add3A_70 = arith.constant 1 : i32
      %add3A_71 = arith.addi %add3A_69, %add3A_70 : i32
      %mul3A_72 = arith.constant 2048 : i32
      %mul3A_73 = arith.muli %add3A_71, %mul3A_72 : i32
      %dma_wait3A_74 = tpu.memref_slice %arg4[%sub3A_66] : memref<32768xf32, #tpu.memory_space<vmem>> -> memref<2048xf32, #tpu.memory_space<vmem>>
      %dma_wait3A_75 = tpu.memref_slice %arg3[%mul3A_73] : memref<67108864xf32, #tpu.memory_space<hbm>> -> memref<2048xf32, #tpu.memory_space<hbm>>
      %dma_wait3A_76 = tpu.memref_slice %arg3[%mul3A_73] : memref<67108864xf32, #tpu.memory_space<hbm>> -> memref<2048xf32, #tpu.memory_space<hbm>>
      %dma_wait3A_77 = tpu.memref_slice %arg4[%sub3A_66] : memref<32768xf32, #tpu.memory_space<vmem>> -> memref<2048xf32, #tpu.memory_space<vmem>>
      tpu.wait_dma2 semaphore(%arg5 : memref<!tpu.dma_semaphore, #tpu.memory_space<semaphore_mem>>) src(%dma_wait3A_77 : memref<2048xf32, #tpu.memory_space<vmem>>) dst(%dma_wait3A_76 : memref<2048xf32, #tpu.memory_space<hbm>>)
      %mul3A_78 = arith.constant 8 : i32
      %mul3A_79 = arith.muli %mul3A_78, %add3A_46 : i32
      %add3A_80 = arith.addi %mul3A_32, %mul3A_79 : i32
      %sub3A_81 = arith.constant 10232 : i32
      %sub3A_82 = arith.subi %sub3A_81, %add3A_80 : i32
      %mul3A_83 = arith.constant 2048 : i32
      %mul3A_84 = arith.muli %select_n3A, %mul3A_83 : i32
      %add3A_85 = arith.addi %mul3A_84, %add3A_80 : i32
      %add3A_86 = arith.constant 2 : i32
      %add3A_87 = arith.addi %add3A_85, %add3A_86 : i32
      %mul3A_88 = arith.constant 2048 : i32
      %mul3A_89 = arith.muli %add3A_87, %mul3A_88 : i32
      %dma_wait3A_90 = tpu.memref_slice %arg4[%sub3A_82] : memref<32768xf32, #tpu.memory_space<vmem>> -> memref<2048xf32, #tpu.memory_space<vmem>>
      %dma_wait3A_91 = tpu.memref_slice %arg3[%mul3A_89] : memref<67108864xf32, #tpu.memory_space<hbm>> -> memref<2048xf32, #tpu.memory_space<hbm>>
      %dma_wait3A_92 = tpu.memref_slice %arg3[%mul3A_89] : memref<67108864xf32, #tpu.memory_space<hbm>> -> memref<2048xf32, #tpu.memory_space<hbm>>
      %dma_wait3A_93 = tpu.memref_slice %arg4[%sub3A_82] : memref<32768xf32, #tpu.memory_space<vmem>> -> memref<2048xf32, #tpu.memory_space<vmem>>
      tpu.wait_dma2 semaphore(%arg5 : memref<!tpu.dma_semaphore, #tpu.memory_space<semaphore_mem>>) src(%dma_wait3A_93 : memref<2048xf32, #tpu.memory_space<vmem>>) dst(%dma_wait3A_92 : memref<2048xf32, #tpu.memory_space<hbm>>)
      %mul3A_94 = arith.constant 8 : i32
      %mul3A_95 = arith.muli %mul3A_94, %add3A_46 : i32
      %add3A_96 = arith.addi %mul3A_32, %mul3A_95 : i32
      %sub3A_97 = arith.constant 14328 : i32
      %sub3A_98 = arith.subi %sub3A_97, %add3A_96 : i32
      %mul3A_99 = arith.constant 2048 : i32
      %mul3A_100 = arith.muli %select_n3A, %mul3A_99 : i32
      %add3A_101 = arith.addi %mul3A_100, %add3A_96 : i32
      %add3A_102 = arith.constant 3 : i32
      %add3A_103 = arith.addi %add3A_101, %add3A_102 : i32
      %mul3A_104 = arith.constant 2048 : i32
      %mul3A_105 = arith.muli %add3A_103, %mul3A_104 : i32
      %dma_wait3A_106 = tpu.memref_slice %arg4[%sub3A_98] : memref<32768xf32, #tpu.memory_space<vmem>> -> memref<2048xf32, #tpu.memory_space<vmem>>
      %dma_wait3A_107 = tpu.memref_slice %arg3[%mul3A_105] : memref<67108864xf32, #tpu.memory_space<hbm>> -> memref<2048xf32, #tpu.memory_space<hbm>>
      %dma_wait3A_108 = tpu.memref_slice %arg3[%mul3A_105] : memref<67108864xf32, #tpu.memory_space<hbm>> -> memref<2048xf32, #tpu.memory_space<hbm>>
      %dma_wait3A_109 = tpu.memref_slice %arg4[%sub3A_98] : memref<32768xf32, #tpu.memory_space<vmem>> -> memref<2048xf32, #tpu.memory_space<vmem>>
      tpu.wait_dma2 semaphore(%arg5 : memref<!tpu.dma_semaphore, #tpu.memory_space<semaphore_mem>>) src(%dma_wait3A_109 : memref<2048xf32, #tpu.memory_space<vmem>>) dst(%dma_wait3A_108 : memref<2048xf32, #tpu.memory_space<hbm>>)
      %mul3A_110 = arith.constant 8 : i32
      %mul3A_111 = arith.muli %mul3A_110, %add3A_46 : i32
      %add3A_112 = arith.addi %mul3A_32, %mul3A_111 : i32
      %sub3A_113 = arith.constant 18424 : i32
      %sub3A_114 = arith.subi %sub3A_113, %add3A_112 : i32
      %mul3A_115 = arith.constant 2048 : i32
      %mul3A_116 = arith.muli %select_n3A, %mul3A_115 : i32
      %add3A_117 = arith.addi %mul3A_116, %add3A_112 : i32
      %add3A_118 = arith.constant 4 : i32
      %add3A_119 = arith.addi %add3A_117, %add3A_118 : i32
      %mul3A_120 = arith.constant 2048 : i32
      %mul3A_121 = arith.muli %add3A_119, %mul3A_120 : i32
      %dma_wait3A_122 = tpu.memref_slice %arg4[%sub3A_114] : memref<32768xf32, #tpu.memory_space<vmem>> -> memref<2048xf32, #tpu.memory_space<vmem>>
      %dma_wait3A_123 = tpu.memref_slice %arg3[%mul3A_121] : memref<67108864xf32, #tpu.memory_space<hbm>> -> memref<2048xf32, #tpu.memory_space<hbm>>
      %dma_wait3A_124 = tpu.memref_slice %arg3[%mul3A_121] : memref<67108864xf32, #tpu.memory_space<hbm>> -> memref<2048xf32, #tpu.memory_space<hbm>>
      %dma_wait3A_125 = tpu.memref_slice %arg4[%sub3A_114] : memref<32768xf32, #tpu.memory_space<vmem>> -> memref<2048xf32, #tpu.memory_space<vmem>>
      tpu.wait_dma2 semaphore(%arg5 : memref<!tpu.dma_semaphore, #tpu.memory_space<semaphore_mem>>) src(%dma_wait3A_125 : memref<2048xf32, #tpu.memory_space<vmem>>) dst(%dma_wait3A_124 : memref<2048xf32, #tpu.memory_space<hbm>>)
      %mul3A_126 = arith.constant 8 : i32
      %mul3A_127 = arith.muli %mul3A_126, %add3A_46 : i32
      %add3A_128 = arith.addi %mul3A_32, %mul3A_127 : i32
      %sub3A_129 = arith.constant 22520 : i32
      %sub3A_130 = arith.subi %sub3A_129, %add3A_128 : i32
      %mul3A_131 = arith.constant 2048 : i32
      %mul3A_132 = arith.muli %select_n3A, %mul3A_131 : i32
      %add3A_133 = arith.addi %mul3A_132, %add3A_128 : i32
      %add3A_134 = arith.constant 5 : i32
      %add3A_135 = arith.addi %add3A_133, %add3A_134 : i32
      %mul3A_136 = arith.constant 2048 : i32
      %mul3A_137 = arith.muli %add3A_135, %mul3A_136 : i32
      %dma_wait3A_138 = tpu.memref_slice %arg4[%sub3A_130] : memref<32768xf32, #tpu.memory_space<vmem>> -> memref<2048xf32, #tpu.memory_space<vmem>>
      %dma_wait3A_139 = tpu.memref_slice %arg3[%mul3A_137] : memref<67108864xf32, #tpu.memory_space<hbm>> -> memref<2048xf32, #tpu.memory_space<hbm>>
      %dma_wait3A_140 = tpu.memref_slice %arg3[%mul3A_137] : memref<67108864xf32, #tpu.memory_space<hbm>> -> memref<2048xf32, #tpu.memory_space<hbm>>
      %dma_wait3A_141 = tpu.memref_slice %arg4[%sub3A_130] : memref<32768xf32, #tpu.memory_space<vmem>> -> memref<2048xf32, #tpu.memory_space<vmem>>
      tpu.wait_dma2 semaphore(%arg5 : memref<!tpu.dma_semaphore, #tpu.memory_space<semaphore_mem>>) src(%dma_wait3A_141 : memref<2048xf32, #tpu.memory_space<vmem>>) dst(%dma_wait3A_140 : memref<2048xf32, #tpu.memory_space<hbm>>)
      %mul3A_142 = arith.constant 8 : i32
      %mul3A_143 = arith.muli %mul3A_142, %add3A_46 : i32
      %add3A_144 = arith.addi %mul3A_32, %mul3A_143 : i32
      %sub3A_145 = arith.constant 26616 : i32
      %sub3A_146 = arith.subi %sub3A_145, %add3A_144 : i32
      %mul3A_147 = arith.constant 2048 : i32
      %mul3A_148 = arith.muli %select_n3A, %mul3A_147 : i32
      %add3A_149 = arith.addi %mul3A_148, %add3A_144 : i32
      %add3A_150 = arith.constant 6 : i32
      %add3A_151 = arith.addi %add3A_149, %add3A_150 : i32
      %mul3A_152 = arith.constant 2048 : i32
      %mul3A_153 = arith.muli %add3A_151, %mul3A_152 : i32
      %dma_wait3A_154 = tpu.memref_slice %arg4[%sub3A_146] : memref<32768xf32, #tpu.memory_space<vmem>> -> memref<2048xf32, #tpu.memory_space<vmem>>
      %dma_wait3A_155 = tpu.memref_slice %arg3[%mul3A_153] : memref<67108864xf32, #tpu.memory_space<hbm>> -> memref<2048xf32, #tpu.memory_space<hbm>>
      %dma_wait3A_156 = tpu.memref_slice %arg3[%mul3A_153] : memref<67108864xf32, #tpu.memory_space<hbm>> -> memref<2048xf32, #tpu.memory_space<hbm>>
      %dma_wait3A_157 = tpu.memref_slice %arg4[%sub3A_146] : memref<32768xf32, #tpu.memory_space<vmem>> -> memref<2048xf32, #tpu.memory_space<vmem>>
      tpu.wait_dma2 semaphore(%arg5 : memref<!tpu.dma_semaphore, #tpu.memory_space<semaphore_mem>>) src(%dma_wait3A_157 : memref<2048xf32, #tpu.memory_space<vmem>>) dst(%dma_wait3A_156 : memref<2048xf32, #tpu.memory_space<hbm>>)
      %mul3A_158 = arith.constant 8 : i32
      %mul3A_159 = arith.muli %mul3A_158, %add3A_46 : i32
      %add3A_160 = arith.addi %mul3A_32, %mul3A_159 : i32
      %sub3A_161 = arith.constant 30712 : i32
      %sub3A_162 = arith.subi %sub3A_161, %add3A_160 : i32
      %mul3A_163 = arith.constant 2048 : i32
      %mul3A_164 = arith.muli %select_n3A, %mul3A_163 : i32
      %add3A_165 = arith.addi %mul3A_164, %add3A_160 : i32
      %add3A_166 = arith.constant 7 : i32
      %add3A_167 = arith.addi %add3A_165, %add3A_166 : i32
      %mul3A_168 = arith.constant 2048 : i32
      %mul3A_169 = arith.muli %add3A_167, %mul3A_168 : i32
      %dma_wait3A_170 = tpu.memref_slice %arg4[%sub3A_162] : memref<32768xf32, #tpu.memory_space<vmem>> -> memref<2048xf32, #tpu.memory_space<vmem>>
      %dma_wait3A_171 = tpu.memref_slice %arg3[%mul3A_169] : memref<67108864xf32, #tpu.memory_space<hbm>> -> memref<2048xf32, #tpu.memory_space<hbm>>
      %dma_wait3A_172 = tpu.memref_slice %arg3[%mul3A_169] : memref<67108864xf32, #tpu.memory_space<hbm>> -> memref<2048xf32, #tpu.memory_space<hbm>>
      %dma_wait3A_173 = tpu.memref_slice %arg4[%sub3A_162] : memref<32768xf32, #tpu.memory_space<vmem>> -> memref<2048xf32, #tpu.memory_space<vmem>>
      tpu.wait_dma2 semaphore(%arg5 : memref<!tpu.dma_semaphore, #tpu.memory_space<semaphore_mem>>) src(%dma_wait3A_173 : memref<2048xf32, #tpu.memory_space<vmem>>) dst(%dma_wait3A_172 : memref<2048xf32, #tpu.memory_space<hbm>>)
    }
    %scan3A_41 = arith.constant 128 : i32
    return
  }
}

</mosaic_0001>

<sc_bundles>
// kernel: kernel.3.cloned.1.call-start
scs
__scs_entry_jumppad:
0x0: {  	(pc) =	sbr.rel $0x88, $3  }
0x1: {  	(tag) =	ssettag $0x0;
	lr =	simm.s32 $0x1  }
0x2: {  	[smem:$0x3FA0] =	sst lr;
	_ =	strace $0xD0000000  }
0x3: {  	_ = 	snop  }
0x4: {  	_ = 	snop  }
0x5: {  	_ = 	snop  }
0x6: {  	_ = 	snop  }
0x7: {  	_ = 	snop  }
__scs_overlays_trampoline_lowered:
0x8: {  	[smem:$0x3FAF] =	sst s0  }
0x9: {  	[smem:$0x3FB0] =	sst s1  }
0xa: {  	[smem:$0x3FB1] =	sst s2  }
0xb: {  	[smem:$0x3FB2] =	sst s3  }
0xc: {  	[smem:$0x3FB3] =	sst s4  }
0xd: {  	[smem:$0x3FB4] =	sst s5  }
0xe: {  	[smem:$0x3FB5] =	sst s6  }
0xf: {  	[smem:$0x3FB6] =	sst s7  }
0x10: {  	[smem:$0x3FB7] =	sst s8  }
0x11: {  	[smem:$0x3FB8] =	sst s9;
	s0 =	simm.s32 @!p0 $0x0  }
0x12: {  	s1 =	sld [smem:$0x3F9E];
	s0 =	simm.s32 @p0 $0x1  }
0x13: {  	[smem:$0x3FB9] =	sst s0;
	s0 =	simm.s32 @!p1 $0x0  }
0x14: {  	s2 =	sld [smem:$0x3F9D];
	s0 =	simm.s32 @p1 $0x1  }
0x15: {  	[smem:$0x3FBA] =	sst s0;
	s0 =	simm.s32 @!p2 $0x0  }
0x16: {  	s3 =	sld [smem:$0x3FDB];
	s0 =	simm.s32 @p2 $0x1  }
0x17: {  	s4 =	simm.s32 $0x1BF5;
	[smem:$0x3FBC] =	sst s0  }
0x18: {  	s0 =	sld [smem:$0x3F9F];
	_ =	swait.ge [sflag:s4], $0x0  }
0x19: {  	s7 =	sld [smem:$0x3FA0]  }
0x1a: {  	s8 =	sadd.s32 $0xFFFFE003, lr  }
0x1b: {  	s9 =	sadd.s32 $0xFFFFFEF7, lr;
	s5 =	simm.s32 $0xFFFFFFFF;
	p2 =	slt.u32 s8, $0xFFFFF086  }
0x1c: {  	p1 =	slt.u32 s9, $0xF7A;
	s5 =	simm.s32 @!p2 $0x0  }
0x1d: {  	s5 =	simm.s32 @p1 $0x1;
	p0 =	seq.s32 s7, s2  }
0x1e: {  	s7 =	smul.u32 @!p0 $0xF7A, s2;
	p2 =	seq.s32 @!p0 s5, $0x0  }
0x1f: {  	s9 =	smul.u32 $0xF7A, s1;
	s8 =	simm.s32 @!p0 $0x1BF5;
	p2 =	por !p2, p0  }
0x20: {  	[sflag:s8] =	ssyncset.s32 @!p0 $0xFFFFF086;
	s6 =	sadd.s32 @!p0 s3, s7;
	s7 =	simm.s32 @!p0 $0x108  }
0x21: {  	s3 =	sadd.s32 s3, s9;
	s6 =	sadd.s32 @!p0 $0x88, s6;
	s7 =	simm.s32 @p2 $0x1082  }
0x22: {  	[simem:s7], [sflag:s8] =	dma.local @!p0 [hbm:s6], $0xF7A  }
0x23: {  	s9 =	sor.u32 $0xD0000000, s2;
	s6 =	simm.s32 $0x108;
	_ =	swait.ge @!p0 [sflag:s8], $0x0  }
0x24: {  	s3 =	sadd.s32 $0x88, s3;
	s6 =	simm.s32 @!p1 $0x1082;
	[sflag:s4] =	ssyncset.s32 $0xFFFFF086  }
0x25: {  	[simem:s6], [sflag:s4] =	dma.local [hbm:s3], $0xF7A  }
0x26: {  	[smem:$0x3FA0] =	sst s1;
	(tag) =	ssettag s2;
	_ =	strace s9  }
0x27: {  	s1 =	sld [smem:$0x3FB0]  }
0x28: {  	s2 =	sld [smem:$0x3FB1]  }
0x29: {  	s4 =	sld [smem:$0x3FB3]  }
0x2a: {  	p0 =	seq.s32 s5, $0x0;
	s5 =	sld [smem:$0x3FB4]  }
0x2b: {  	s6 =	sld [smem:$0x3FB5]  }
0x2c: {  	s7 =	sld [smem:$0x3FB6]  }
0x2d: {  	s3 =	simm.s32 $0x108;
	s8 =	sld [smem:$0x3FB7]  }
0x2e: {  	s3 =	simm.s32 @!p0 $0x1082;
	s9 =	sld [smem:$0x3FB8]  }
0x2f: {  	lr =	sadd.s32 s0, s3;
	s0 =	sld [smem:$0x3FAF]  }
0x30: {  	s3 =	sld [smem:$0x3FB2]  }
0x31: {  	[smem:$0x3FBB] =	sst s10  }
0x32: {  	s10 =	sld [smem:$0x3FB9];
	_ =	sdelay $0x3  }
0x33: {  	p0 =	seq.s32 s10, $0x1;
	s10 =	sld [smem:$0x3FBB];
	_ =	sdelay $0x3  }
0x34: {  	[smem:$0x3FBB] =	sst s10  }
0x35: {  	s10 =	sld [smem:$0x3FBA];
	_ =	sdelay $0x3  }
0x36: {  	p1 =	seq.s32 s10, $0x1;
	s10 =	sld [smem:$0x3FBB];
	_ =	sdelay $0x3  }
0x37: {  	[smem:$0x3FBB] =	sst s10  }
0x38: {  	s10 =	sld [smem:$0x3FBC]  }
0x39: {  	_ = 	snop;
	(pc) =	sbr.ind lr, $3  }
0x3a: {  	_ = 	snop  }
0x3b: {  	_ = 	snop  }
0x3c: {  	p2 =	seq.s32 s10, $0x1;
	s10 =	sld [smem:$0x3FBB]  }
0x3d: {  	_ =	shalt  }
0x3e: {  	_ =	shalt  }
0x3f: {  	_ =	shalt  }
0x40: {  	_ =	shalt  }
0x41: {  	_ =	shalt  }
0x42: {  	_ =	shalt  }
0x43: {  	_ =	shalt  }
0x44: {  	_ =	shalt  }
0x45: {  	_ =	shalt  }
0x46: {  	_ =	shalt  }
0x47: {  	_ =	shalt  }
0x48: {  	_ =	shalt  }
0x49: {  	_ =	shalt  }
0x4a: {  	_ =	shalt  }
0x4b: {  	_ =	shalt  }
0x4c: {  	_ =	shalt  }
0x4d: {  	_ =	shalt  }
0x4e: {  	_ =	shalt  }
0x4f: {  	_ =	shalt  }
0x50: {  	_ =	shalt  }
0x51: {  	_ =	shalt  }
0x52: {  	_ =	shalt  }
0x53: {  	_ =	shalt  }
0x54: {  	_ =	shalt  }
0x55: {  	_ =	shalt  }
0x56: {  	_ =	shalt  }
0x57: {  	_ =	shalt  }
0x58: {  	_ =	shalt  }
0x59: {  	_ =	shalt  }
0x5a: {  	_ =	shalt  }
0x5b: {  	_ =	shalt  }
0x5c: {  	_ =	shalt  }
0x5d: {  	_ =	shalt  }
0x5e: {  	_ =	shalt  }
0x5f: {  	_ =	shalt  }
0x60: {  	_ =	shalt  }
0x61: {  	_ =	shalt  }
0x62: {  	_ =	shalt  }
0x63: {  	_ =	shalt  }
0x64: {  	_ =	shalt  }
0x65: {  	_ =	shalt  }
0x66: {  	_ =	shalt  }
0x67: {  	_ =	shalt  }
0x68: {  	_ =	shalt  }
0x69: {  	_ =	shalt  }
0x6a: {  	_ =	shalt  }
0x6b: {  	_ =	shalt  }
0x6c: {  	_ =	shalt  }
0x6d: {  	_ =	shalt  }
0x6e: {  	_ =	shalt  }
0x6f: {  	_ =	shalt  }
0x70: {  	_ =	shalt  }
0x71: {  	_ =	shalt  }
0x72: {  	_ =	shalt  }
0x73: {  	_ =	shalt  }
0x74: {  	_ =	shalt  }
0x75: {  	_ =	shalt  }
0x76: {  	_ =	shalt  }
0x77: {  	_ =	shalt  }
0x78: {  	_ =	shalt  }
0x79: {  	_ =	shalt  }
0x7a: {  	_ =	shalt  }
0x7b: {  	_ =	shalt  }
0x7c: {  	_ =	shalt  }
0x7d: {  	_ =	shalt  }
0x7e: {  	_ =	shalt  }
0x7f: {  	_ =	shalt  }
0x80: {  	_ =	shalt  }
0x81: {  	_ =	shalt  }
0x82: {  	_ =	shalt  }
0x83: {  	_ =	shalt  }
0x84: {  	_ =	shalt  }
0x85: {  	_ =	shalt  }
0x86: {  	_ =	shalt  }
0x87: {  	_ =	shalt  }
.Lfunc_end0:
.L_simem_size_0:
called_computation_lowered:
.L_overlay_start_0:
0x88: {  	s2 =	sld [smem:$0x3FD9]  }
0x89: {  	s3 =	sld [smem:$0x3FFE];
	_ =	sdelay $0x1  }
0x8a: {  	s1 =	srdreg.scid  }
0x8b: {  	s0 =	sand.u32 $0x1, s1  }
0x8c: {  	s17 =	sshll.u32 s0, $0xA;
	s2 =	sadd.s32 s3, s2  }
0x8d: {  	s2 =	sadd.s32 s2, s17  }
0x8e: {  	[smem:$0x3FC7] =	sst s2  }
0x8f: {  	_ = 	snop  }
0x90: {  	s2 =	sld [smem:$0x3FD0];
	(tm) =	ssettm $0x1  }
0x91: {  	s18 =	sld [smem:$0x3FFB];
	_ =	sdelay $0x3  }
0x92: {  	_ =	strace s18  }
0x93: {  	s3 =	sld [smem:$0x3FFC];
	_ =	sdelay $0x3  }
0x94: {  	_ =	strace s3  }
0x95: {  	s3 =	sld [smem:$0x3FFD];
	_ =	sdelay $0x3  }
0x96: {  	_ =	strace s3  }
0x97: {  	_ =	strace $0x8FFFFFFF  }
0x98: {  	s19 =	sld [smem:$0x3FDB];
	_ =	sdelay $0x1  }
0x99: {  	s4 =	simm.s32 $_scs_section_size  }
0x9a: {  	s5 =	simm.s32 $_size__tile_overlayer_lowered;
	s6 =	simm.s32 $_tile_overlayer_lowered  }
0x9b: {  	s22 =	simm.s32 $0x1BFF;
	s21 =	sshll.u32 s6, $0x1;
	s3 =	sadd.s32 s4, s19  }
0x9c: {  	s7 =	simm.s32 $0x0;
	s20 =	sshll.u32 s5, $0x1;
	s5 =	sadd.s32 s21, s3  }
0x9d: {  	[timem:s7], [sflag:s22] =	dma.local [hbm:s5], s20  }
0x9e: {  	_ =	swait.ge [sflag:s22], s20  }
0x9f: {  	s4 =	ssub.s32 $0x0, s20;
	[sflag:s22] =	ssyncset.done $0x0  }
0xa0: {  	[sflag:s22] =	ssyncadd.s32 s4;
	_ =	sdelay $0x1  }
0xa1: {  	s23 =	simm.s32 $0x1B8B  }
0xa2: {  	_ =	swait.ge [sflag:s23], $0x1  }
0xa3: {  	[sflag:s23] =	ssyncset.done $0x0  }
0xa4: {  	s25 =	simm.s32 $0x1B8E;
	s24 =	sld [smem:$0x3FFE];
	[sflag:s23] =	ssyncadd.s32 $0xFFFFFFFF  }
0xa5: {  	s26 =	simm.s32 $execute0_lowered;
	[smem:$0x3FD2] =	sst s25  }
0xa6: {  	s5 =	sshll.u32 s26, $0x1;
	_ =	strace $0x80000046;
	[dreg:$0x1] =	wrdreg $0xFFFFFFFF  }
0xa7: {  	s28 =	simm.s32 $_size_execute0_lowered;
	s3 =	sadd.s32 s3, s5;
	[dreg:$0x0] =	wrdreg $0x0  }
0xa8: {  	s5 =	sshll.u32 s28, $0x1;
	[dreg:$0x2] =	wrdreg s3  }
0xa9: {  	[dreg:$0x3] =	wrdreg s5  }
0xaa: {  	[dreg:$0x4] =	wrdreg $0xC0  }
0xab: {  	_ =	task [dreg:s7], $0x5FFFF  }
0xac: {  	[dreg:$0x1] =	wrdreg $0xFFFFFFFF  }
0xad: {  	[dreg:$0x0] =	wrdreg $0x60  }
0xae: {  	[dreg:$0x2] =	wrdreg s2  }
0xaf: {  	[dreg:$0x3] =	wrdreg s24  }
0xb0: {  	[dreg:$0x4] =	wrdreg $0x9  }
0xb1: {  	_ =	task.clear_ibuf [dreg:s7], $0x5FFFF;
	_ =	strace $0x90000046  }
0xb2: {  	s29 =	simm.s32 $0x9;
	_ =	strace $0x80000048  }
0xb3: {  	_ =	swait.ge [sflag:s29], $0x1  }
0xb4: {  	[sflag:s29] =	ssyncadd.s32 $0xFFFFFFFF  }
0xb5: {  	_ =	strace $0x90000048  }
0xb6: {  	_ =	sfence  }
0xb7: {  	s30 =	sld [smem:$0x0];
	_ =	sdelay $0x2  }
0xb8: {  	s31 =	sshll.u32 s1, $0xD;
	s1 =	sshrl.u32 s1, $0x2  }
0xb9: {  	s3 =	sand.u32 $0x4000, s31;
	s1 =	sadd.s32 s1, s30  }
0xba: {  	s0 =	sor.u32 s3, s0;
	s1 =	sshll.u32 s1, $0x11  }
0xbb: {  	s0 =	sor.u32 s1, s0  }
0xbc: {  	s0 =	sadd.s32 $0x8F2B, s0  }
0xbd: {  	[sflag:s0] =	ssyncadd.remote.s32 $0x1  }
0xbe: {  	_ =	sfence.sel $0xFFFF  }
0xbf: {  	[dreg:$0x0] =	wrdreg $0xFFFFFFFF;
	(pc) =	sbr.abs _section_cstart, $3  }
0xc0: {  	[dreg:$0x1] =	wrdreg $0xFFFFFFFF  }
0xc1: {  	_ =	task.clear_ibuf [dreg:s7], $0x2FFFF;
	_ =	strace $0x9FFFFFFF  }
0xc2: {  	(tm) =	ssettm $0x7FFFFFFF  }
0xc3: {  	_ =	shalt  }
tec
execute0_lowered:
.L_overlay_start_1:
0x0: {  	(tag) =	ssettag $0x1  }
0x1: {  	s1 =	srdreg.scid  }
0x2: {  	s0 =	stileid.u32;
	s4 =	rddreg [dreg:$0x0]  }
0x3: {  	s6 =	rddreg [dreg:$0x1];
	s2 =	simm.s32 $0x0;
	s5 =	sand.u32 $0x1, s1  }
0x4: {  	s7 =	simm.s32 $0x1;
	s3 =	simm.s32 $0x1;
	s1 =	sor.u32 s5, s0  }
0x5: {  	[smem:$0x7FF] =	sst s2;
	p1 =	seq.s32 s5, $0x1;
	p0 =	seq.s32 s1, $0x0  }
0x6: {  	s10 =	ssub.s32 $0x2, s5;
	s29 =	sshll.u32 s5, $0xC;
	p0 =	por !p0, !p1  }
0x7: {  	s30 =	sshll.u32 s5, $0x12;
	s1 =	rddreg [dreg:$0x2];
	p0 =	por !p0, !p0  }
0x8: {  	_ =	strace $0x80000047;
	s11 =	sshrl.u32 s10, $0x1;
	s7 =	simm.s32 @!p0 $0x0  }
0x9: {  	s28 =	ssub.s32 s10, s11;
	s10 =	simm.s32 $0x2;
	s7 =	ssub.s32 s0, s7  }
0xa: {  	s8 =	sshll.u32 s7, $0x13;
	s9 =	sshll.u32 s7, $0xF;
	s7 =	sshll.u32 s7, $0x7  }
0xb: {  	s11 =	simm.s32 $0x0;
	s9 =	sand.u32 $0xFFFC0000, s9;
	s7 =	sand.u32 $0x380, s7  }
0xc: {  	s5 =	smax.u32 s28, $0x1;
	s8 =	sand.u32 $0x1FF80000, s8;
	s7 =	sor.u32 s7, s9  }
0xd: {  	s6 =	sadd.s32 s8, s6;
	s8 =	simm.s32 $0x80;
	s7 =	sshrl.u32 s7, $0x3  }
0xe: {  	s31 =	sadd.s32 s30, s6;
	s4 =	sadd.s32 s4, s7;
	s7 =	ssub.s32 $0x0, s29  }
0xf: {  	s9 =	simm.s32 $0x400;
	s6 =	sshra.s32 s7, $0x2;
	s7 =	sadd.s32 $0xB00, s31  }
.LBB2_1:
0x10: {  	[tilespmem:s2], [sflag:$0x2] =	stream.strided.gather [hbm4b:s4+s8], $0x8000, s9, s8, $0x38;
	[tilespmem:$0x8000] =	vst v63  }
0x11: {  	_ =	swait.ge [sflag:s10], $0x8000  }
0x12: {  	s12 =	sadd.s32 $0x0, s6;
	[sflag:s10] =	ssyncset.done $0x0  }
0x13: {  	s13 =	sadd.s32 $0xFFFFF900, s7;
	s14 =	sadd.s32 $0x7F8, s12;
	[sflag:s10] =	ssyncadd.s32 $0xFFFF8000  }
0x14: {  	[hbm4b:s13+s2] =	stream.linear.scatter [tilespmem:s14], [sflag:$0x1], $0x800, $0x38;
	[tilespmem:$0x8000] =	vst v63  }
0x15: {  	s19 =	sadd.s32 $0xFFFFFA00, s7;
	s20 =	sadd.s32 $0x17F8, s12  }
0x16: {  	[hbm4b:s19+s2] =	stream.linear.scatter [tilespmem:s20], [sflag:$0x1], $0x800, $0x38;
	[tilespmem:$0x8000] =	vst v63  }
0x17: {  	s21 =	sadd.s32 $0xFFFFFB00, s7;
	s23 =	sadd.s32 $0xFFFFFC00, s7;
	s22 =	sadd.s32 $0x27F8, s12  }
0x18: {  	[hbm4b:s21+s2] =	stream.linear.scatter [tilespmem:s22], [sflag:$0x1], $0x800, $0x38;
	[tilespmem:$0x8000] =	vst v63  }
0x19: {  	s25 =	sadd.s32 $0xFFFFFD00, s7;
	s28 =	sadd.s32 $0xFFFFFE00, s7;
	s24 =	sadd.s32 $0x37F8, s12  }
0x1a: {  	[hbm4b:s23+s2] =	stream.linear.scatter [tilespmem:s24], [sflag:$0x1], $0x800, $0x38;
	[tilespmem:$0x8000] =	vst v63  }
0x1b: {  	s30 =	sadd.s32 $0xFFFFFF00, s7;
	s15 =	simm.s32 $0xFFFFFFC0;
	s26 =	sadd.s32 $0x47F8, s12  }
0x1c: {  	[hbm4b:s25+s2] =	stream.linear.scatter [tilespmem:s26], [sflag:$0x1], $0x800, $0x38;
	[tilespmem:$0x8000] =	vst v63  }
0x1d: {  	s29 =	sadd.s32 $0x57F8, s12;
	s31 =	sadd.s32 $0x67F8, s12;
	s16 =	sadd.s32 $0x77F8, s12  }
0x1e: {  	[hbm4b:s28+s2] =	stream.linear.scatter [tilespmem:s29], [sflag:$0x1], $0x800, $0x38;
	[tilespmem:$0x8000] =	vst v63  }
0x1f: {  	s12 =	sadd.s32 $0x800, s7;
	s13 =	simm.s32 $0xFFFFFFF8;
	s14 =	smov.u32 s7  }
0x20: {  	[hbm4b:s30+s2] =	stream.linear.scatter [tilespmem:s31], [sflag:$0x1], $0x800, $0x38;
	[tilespmem:$0x8000] =	vst v63  }
.LBB2_2:
0x21: {  	[hbm4b:s14+s2] =	stream.linear.scatter [tilespmem:s16], [sflag:$0x1], $0x800, $0x38;
	[tilespmem:$0x8000] =	vst v63  }
0x22: {  	s16 =	smov.u32 s15;
	s14 =	smov.u32 s12  }
0x23: {  	s17 =	sadd.s32 $0xFFFFFFE0, s15;
	s18 =	sadd.s32 s13, s6;
	s13 =	sshra.s32 s16, $0x2  }
0x24: {  	p0 =	sne.s32 s15, $0xFFFFF020;
	s15 =	sadd.s32 $0xFFFFF900, s12;
	s16 =	sadd.s32 $0x7F8, s18  }
0x25: {  	[hbm4b:s15+s2] =	stream.linear.scatter [tilespmem:s16], [sflag:$0x1], $0x800, $0x38;
	[tilespmem:$0x8000] =	vst v63  }
0x26: {  	s15 =	sadd.s32 $0xFFFFFA00, s12;
	s16 =	sadd.s32 $0x17F8, s18  }
0x27: {  	[hbm4b:s15+s2] =	stream.linear.scatter [tilespmem:s16], [sflag:$0x1], $0x800, $0x38;
	[tilespmem:$0x8000] =	vst v63  }
0x28: {  	s15 =	sadd.s32 $0xFFFFFB00, s12;
	s16 =	sadd.s32 $0x27F8, s18  }
0x29: {  	[hbm4b:s15+s2] =	stream.linear.scatter [tilespmem:s16], [sflag:$0x1], $0x800, $0x38;
	[tilespmem:$0x8000] =	vst v63  }
0x2a: {  	s15 =	sadd.s32 $0xFFFFFC00, s12;
	s16 =	sadd.s32 $0x37F8, s18  }
0x2b: {  	[hbm4b:s15+s2] =	stream.linear.scatter [tilespmem:s16], [sflag:$0x1], $0x800, $0x38;
	[tilespmem:$0x8000] =	vst v63  }
0x2c: {  	s15 =	sadd.s32 $0xFFFFFD00, s12;
	s16 =	sadd.s32 $0x47F8, s18  }
0x2d: {  	[hbm4b:s15+s2] =	stream.linear.scatter [tilespmem:s16], [sflag:$0x1], $0x800, $0x38;
	[tilespmem:$0x8000] =	vst v63  }
.Ltmp0:
0x2e: {  	s15 =	sadd.s32 $0xFFFFFE00, s12;
	s16 =	sadd.s32 $0x57F8, s18;
	(pc) =	sbr.rel @p0 .LBB2_2-.Ltmp0, $4  }
0x2f: {  	[hbm4b:s15+s2] =	stream.linear.scatter [tilespmem:s16], [sflag:$0x1], $0x800, $0x38;
	[tilespmem:$0x8000] =	vst v63  }
0x30: {  	s15 =	sadd.s32 $0xFFFFFF00, s12;
	s16 =	sadd.s32 $0x67F8, s18  }
0x31: {  	[hbm4b:s15+s2] =	stream.linear.scatter [tilespmem:s16], [sflag:$0x1], $0x800, $0x38;
	[tilespmem:$0x8000] =	vst v63  }
0x32: {  	s12 =	sadd.s32 $0x800, s12;
	s16 =	sadd.s32 $0x77F8, s18;
	s15 =	smov.u32 s17  }
0x33: {  	[hbm4b:s14+s2] =	stream.linear.scatter [tilespmem:s16], [sflag:$0x1], $0x800, $0x38;
	[tilespmem:$0x8000] =	vst v63  }
0x34: {  	s13 =	sadd.s32 s13, s6  }
0x35: {  	s18 =	sadd.s32 $0xFFFFF900, s12;
	s15 =	sadd.s32 $0x7F8, s13  }
0x36: {  	[hbm4b:s18+s2] =	stream.linear.scatter [tilespmem:s15], [sflag:$0x1], $0x800, $0x38;
	[tilespmem:$0x8000] =	vst v63  }
0x37: {  	s19 =	sadd.s32 $0xFFFFFA00, s12;
	s20 =	sadd.s32 $0x17F8, s13  }
0x38: {  	[hbm4b:s19+s2] =	stream.linear.scatter [tilespmem:s20], [sflag:$0x1], $0x800, $0x38;
	[tilespmem:$0x8000] =	vst v63  }
0x39: {  	s21 =	sadd.s32 $0xFFFFFB00, s12;
	s22 =	sadd.s32 $0x27F8, s13  }
0x3a: {  	[hbm4b:s21+s2] =	stream.linear.scatter [tilespmem:s22], [sflag:$0x1], $0x800, $0x38;
	[tilespmem:$0x8000] =	vst v63  }
0x3b: {  	s23 =	sadd.s32 $0xFFFFFC00, s12;
	s24 =	sadd.s32 $0x37F8, s13  }
0x3c: {  	[hbm4b:s23+s2] =	stream.linear.scatter [tilespmem:s24], [sflag:$0x1], $0x800, $0x38;
	[tilespmem:$0x8000] =	vst v63  }
0x3d: {  	s25 =	sadd.s32 $0xFFFFFD00, s12;
	s26 =	sadd.s32 $0x47F8, s13  }
0x3e: {  	[hbm4b:s25+s2] =	stream.linear.scatter [tilespmem:s26], [sflag:$0x1], $0x800, $0x38;
	[tilespmem:$0x8000] =	vst v63  }
0x3f: {  	s28 =	sadd.s32 $0xFFFFFE00, s12;
	s29 =	sadd.s32 $0x57F8, s13  }
0x40: {  	[hbm4b:s28+s2] =	stream.linear.scatter [tilespmem:s29], [sflag:$0x1], $0x800, $0x38;
	[tilespmem:$0x8000] =	vst v63  }
0x41: {  	s30 =	sadd.s32 $0xFFFFFF00, s12;
	s31 =	sadd.s32 $0x67F8, s13  }
0x42: {  	[hbm4b:s30+s2] =	stream.linear.scatter [tilespmem:s31], [sflag:$0x1], $0x800, $0x38;
	[tilespmem:$0x8000] =	vst v63  }
0x43: {  	s13 =	sadd.s32 $0x77F8, s13  }
0x44: {  	[hbm4b:s12+s2] =	stream.linear.scatter [tilespmem:s13], [sflag:$0x1], $0x800, $0x38;
	[tilespmem:$0x8000] =	vst v63  }
0x45: {  	_ =	swait.ge [sflag:s3], $0x800  }
0x46: {  	[sflag:s3] =	ssyncset.done $0x0  }
0x47: {  	[sflag:s3] =	ssyncadd.s32 $0xFFFFF800  }
0x48: {  	_ =	swait.ge [sflag:s3], $0x800  }
0x49: {  	[sflag:s3] =	ssyncset.done $0x0  }
0x4a: {  	[sflag:s3] =	ssyncadd.s32 $0xFFFFF800  }
0x4b: {  	_ =	swait.ge [sflag:s3], $0x800  }
0x4c: {  	[sflag:s3] =	ssyncset.done $0x0  }
0x4d: {  	[sflag:s3] =	ssyncadd.s32 $0xFFFFF800  }
0x4e: {  	_ =	swait.ge [sflag:s3], $0x800  }
0x4f: {  	[sflag:s3] =	ssyncset.done $0x0  }
0x50: {  	[sflag:s3] =	ssyncadd.s32 $0xFFFFF800  }
0x51: {  	_ =	swait.ge [sflag:s3], $0x800  }
0x52: {  	[sflag:s3] =	ssyncset.done $0x0  }
0x53: {  	[sflag:s3] =	ssyncadd.s32 $0xFFFFF800  }
0x54: {  	_ =	swait.ge [sflag:s3], $0x800  }
0x55: {  	[sflag:s3] =	ssyncset.done $0x0  }
0x56: {  	[sflag:s3] =	ssyncadd.s32 $0xFFFFF800  }
0x57: {  	_ =	swait.ge [sflag:s3], $0x800  }
0x58: {  	[sflag:s3] =	ssyncset.done $0x0  }
0x59: {  	[sflag:s3] =	ssyncadd.s32 $0xFFFFF800  }
0x5a: {  	_ =	swait.ge [sflag:s3], $0x800  }
0x5b: {  	s12 =	simm.s32 $0x7F;
	[sflag:s3] =	ssyncset.done $0x0  }
.LBB2_4:
0x5c: {  	p0 =	sne.s32 s12, $0x1;
	s12 =	sadd.s32 $0xFFFFFFFF, s12;
	[sflag:s3] =	ssyncadd.s32 $0xFFFFF800  }
0x5d: {  	_ =	swait.ge [sflag:s3], $0x800  }
0x5e: {  	[sflag:s3] =	ssyncset.done $0x0  }
0x5f: {  	[sflag:s3] =	ssyncadd.s32 $0xFFFFF800  }
0x60: {  	_ =	swait.ge [sflag:s3], $0x800  }
0x61: {  	[sflag:s3] =	ssyncset.done $0x0  }
0x62: {  	[sflag:s3] =	ssyncadd.s32 $0xFFFFF800  }
0x63: {  	_ =	swait.ge [sflag:s3], $0x800  }
0x64: {  	[sflag:s3] =	ssyncset.done $0x0  }
0x65: {  	[sflag:s3] =	ssyncadd.s32 $0xFFFFF800  }
0x66: {  	_ =	swait.ge [sflag:s3], $0x800  }
0x67: {  	[sflag:s3] =	ssyncset.done $0x0  }
0x68: {  	[sflag:s3] =	ssyncadd.s32 $0xFFFFF800  }
0x69: {  	_ =	swait.ge [sflag:s3], $0x800  }
0x6a: {  	[sflag:s3] =	ssyncset.done $0x0  }
0x6b: {  	[sflag:s3] =	ssyncadd.s32 $0xFFFFF800  }
0x6c: {  	_ =	swait.ge [sflag:s3], $0x800  }
0x6d: {  	[sflag:s3] =	ssyncset.done $0x0  }
0x6e: {  	[sflag:s3] =	ssyncadd.s32 $0xFFFFF800  }
.Ltmp1:
0x6f: {  	_ =	swait.ge [sflag:s3], $0x800;
	(pc) =	sbr.rel @p0 .LBB2_4-.Ltmp1, $4  }
0x70: {  	[sflag:s3] =	ssyncset.done $0x0  }
0x71: {  	[sflag:s3] =	ssyncadd.s32 $0xFFFFF800  }
0x72: {  	_ =	swait.ge [sflag:s3], $0x800  }
0x73: {  	[sflag:s3] =	ssyncset.done $0x0  }
0x74: {  	s11 =	sadd.s32 $0x1, s11  }
0x75: {  	p0 =	sne.s32 s11, s5  }
.Ltmp2:
0x76: {  	_ = 	snop;
	(pc) =	sbr.rel @p0 .LBB2_1-.Ltmp2, $2  }
0x77: {  	_ =	sdelay $0x2  }
0x78: {  	[sflag:s3] =	ssyncadd.s32 $0xFFFFF800  }
0x79: {  	_ =	sfence.sel $0x180000  }
0x7a: {  	[bflag:$0x0] =	sbarrier.arrive $0xFFFF  }
0x7b: {  	p0 =	sne.s32 s0, $0x0;
	_ =	strace $0x90000047  }
0x7c: {  	s0 =	sadd.s32 @!p0 $0x100000, s1;
	[bflag:$0x2] =	sbarrier.arrive $0xFFFF  }
0x7d: {  	[sflag:s0] =	ssyncadd.tile.s32 @!p0 $0x1;
	_ =	shalt  }
.Lfunc_end2:
_tile_overlayer_lowered:
.L_overlay_start_2:
0x7e: {  	(tag) =	ssettag $0x2  }
0x7f: {  	s0 =	rddreg [dreg:$0x0];
	s2 =	stileid.u32  }
0x80: {  	s1 =	rddreg [dreg:$0x1];
	p0 =	sne.s32 s2, $0x0  }
0x81: {  	s3 =	rddreg [dreg:$0x2];
	[bflag:$0x3] =	sbarrier.arrive $0xFFFF;
	s2 =	simm.s32 @!p0 $0x1C02  }
0x82: {  	[timem:s3], [sflag:s2] =	dma.local @!p0 [hbm:s0], s1  }
0x83: {  	s0 =	simm.s32 @!p0 $0x2  }
0x84: {  	_ =	swait.ge @!p0 [sflag:s0], s1  }
0x85: {  	s1 =	ssub.s32 @!p0 $0x0, s1;
	[sflag:s0] =	ssyncset.done @!p0 $0x0  }
0x86: {  	[sflag:s0] =	ssyncadd.s32 @!p0 s1  }
0x87: {  	[bflag:$0x3] =	sbarrier.arrive $0xFFFF  }
0x88: {  	_ =	shalt  }

</sc_bundles>
